<compile_context>
chip_gen: v7x
topology: tpu7x:2x2x1
jax: 0.10.2.dev20260603
libtpu: 0.0.44.dev20260713+nightly
codegen_flags: <defaults>
</compile_context>

<pallas_src>
import jax
import jax.numpy as jnp
from jax.experimental import pallas as pl
from jax.experimental.pallas import tpu as pltpu

SCORE_THRESHOLD_ = 0.05
IOU_THRESHOLD_ = 0.65
MAX_DETECTIONS_ = 300
PRE_NMS_TOPK_ = 4096
ROWS_ = 32
LANES_ = 128


def _nms_loop_kernel(x1_ref, y1_ref, x2_ref, y2_ref, s_ref, cls_ref,
                     boxes_ref, ob_ref, os_ref, oc_ref, nv_ref):
    X1 = x1_ref[...]
    Y1 = y1_ref[...]
    X2 = x2_ref[...]
    Y2 = y2_ref[...]
    S = s_ref[...]
    CLf = cls_ref[...].astype(jnp.float32)

    allb = boxes_ref[...]
    span = jnp.max(allb) - jnp.min(allb) + 1.0

    off = CLf * span
    OX1 = X1 + off
    OY1 = Y1 + off
    OX2 = X2 + off
    OY2 = Y2 + off
    AREA = (OX2 - OX1) * (OY2 - OY1)

    iota = (jax.lax.broadcasted_iota(jnp.int32, (ROWS_, LANES_), 0) * LANES_
            + jax.lax.broadcasted_iota(jnp.int32, (ROWS_, LANES_), 1))

    valid0 = (S > 0.0).astype(jnp.float32)
    big = jnp.int32(PRE_NMS_TOPK_)

    def body(t, carry):
        valid, n = carry
        i = jnp.min(jnp.where(valid > 0.0, iota, big))
        keep = i < big
        keepf = keep.astype(jnp.float32)
        ohf = (iota == i).astype(jnp.float32)

        sv = jnp.sum(ohf * S)
        cf = jnp.sum(ohf * CLf)
        ox1 = jnp.sum(ohf * OX1)
        oy1 = jnp.sum(ohf * OY1)
        ox2 = jnp.sum(ohf * OX2)
        oy2 = jnp.sum(ohf * OY2)
        bx1 = jnp.sum(ohf * X1)
        by1 = jnp.sum(ohf * Y1)
        bx2 = jnp.sum(ohf * X2)
        by2 = jnp.sum(ohf * Y2)

        xx1 = jnp.maximum(ox1, OX1)
        yy1 = jnp.maximum(oy1, OY1)
        xx2 = jnp.minimum(ox2, OX2)
        yy2 = jnp.minimum(oy2, OY2)
        inter = jnp.clip(xx2 - xx1, 0.0) * jnp.clip(yy2 - yy1, 0.0)
        a1 = (ox2 - ox1) * (oy2 - oy1)
        iou = inter / (a1 + AREA - inter + 1e-9)
        valid = jnp.where(iou <= IOU_THRESHOLD_, valid, 0.0)

        ob_ref[t, 0] = bx1 * keepf
        ob_ref[t, 1] = by1 * keepf
        ob_ref[t, 2] = bx2 * keepf
        ob_ref[t, 3] = by2 * keepf
        os_ref[t] = sv * keepf
        oc_ref[t] = jnp.where(keep, cf.astype(jnp.int32), jnp.int32(-1))
        return valid, n + keep.astype(jnp.int32)

    _, n = jax.lax.fori_loop(0, MAX_DETECTIONS_, body, (valid0, jnp.int32(0)))
    nv_ref[0] = n


def kernel(boxes, scores):
    b = boxes[0]
    s = scores[0]
    N, C = s.shape
    flat = s.reshape(-1)
    flat = jnp.where(flat >= SCORE_THRESHOLD_, flat, -1.0)
    K = PRE_NMS_TOPK_
    top_scores, top_pos = jax.lax.top_k(flat, K)
    box_idx = top_pos // C
    cls = (top_pos % C).astype(jnp.int32)
    cb = jnp.take(b, box_idx, axis=0)

    X1 = cb[:, 0].reshape(ROWS_, LANES_)
    Y1 = cb[:, 1].reshape(ROWS_, LANES_)
    X2 = cb[:, 2].reshape(ROWS_, LANES_)
    Y2 = cb[:, 3].reshape(ROWS_, LANES_)
    S2 = top_scores.reshape(ROWS_, LANES_)
    CL = cls.reshape(ROWS_, LANES_)
    boxes_flat = b.reshape(-1, LANES_)

    smem = pl.BlockSpec(memory_space=pltpu.SMEM)
    ob, os_, oc, nv = pl.pallas_call(
        _nms_loop_kernel,
        out_shape=(
            jax.ShapeDtypeStruct((MAX_DETECTIONS_, 4), jnp.float32),
            jax.ShapeDtypeStruct((MAX_DETECTIONS_,), jnp.float32),
            jax.ShapeDtypeStruct((MAX_DETECTIONS_,), jnp.int32),
            jax.ShapeDtypeStruct((1,), jnp.int32),
        ),
        out_specs=(smem, smem, smem, smem),
    )(X1, Y1, X2, Y2, S2, CL, boxes_flat)

    return ob[None], os_[None], oc[None], nv[None]

# --- scband reference (transcript-rebuilt; emitter-appended) ---
"""Pipeline reference for scband-nms-8856222564617 (READ-ONLY COPY).

The authoritative reference and input builder live on the scoring server;
editing this copy changes nothing except your own understanding.
"""

import jax, jax.numpy as jnp
import numpy as np

SCORE_THRESHOLD = 0.05
IOU_THRESHOLD = 0.65
MAX_DETECTIONS = 300
PRE_NMS_TOPK = 4096


def setup_inputs(seed: int = 0) -> dict:
    key = jax.random.key(seed)
    k1, k2, k3 = jax.random.split(key, 3)
    B, N, C = 1, 20000, 80
    # valid boxes: (x1, y1, x2, y2) with x2 > x1, y2 > y1, coords ~ [0, 1.21)
    xy = jax.random.uniform(k1, (B, N, 2), dtype=jnp.float32)
    wh = jax.random.uniform(k2, (B, N, 2), dtype=jnp.float32) * 0.2 + 0.01
    boxes = jnp.concatenate([xy, xy + wh], axis=-1)
    scores = jax.random.uniform(k3, (B, N, C), dtype=jnp.float32)
    return {"boxes": boxes, "scores": scores}


def _iou_one_vs_all(box, boxes):
    x1 = jnp.maximum(box[0], boxes[:, 0])
    y1 = jnp.maximum(box[1], boxes[:, 1])
    x2 = jnp.minimum(box[2], boxes[:, 2])
    y2 = jnp.minimum(box[3], boxes[:, 3])
    inter = jnp.clip(x2 - x1, 0.0) * jnp.clip(y2 - y1, 0.0)
    a1 = (box[2] - box[0]) * (box[3] - box[1])
    a2 = (boxes[:, 2] - boxes[:, 0]) * (boxes[:, 3] - boxes[:, 1])
    return inter / (a1 + a2 - inter + 1e-9)


def _nms_single(boxes, scores):
    # boxes: [N, 4], scores: [N, C] -> multiclass NMS
    N, C = scores.shape
    flat = scores.reshape(-1)
    flat = jnp.where(flat >= SCORE_THRESHOLD, flat, -1.0)
    box_idx = jnp.arange(N * C) // C
    cls_idx = jnp.arange(N * C) % C
    K = min(PRE_NMS_TOPK, N * C)
    top_scores, top_pos = jax.lax.top_k(flat, K)
    cand_boxes = jnp.take(boxes, jnp.take(box_idx, top_pos), axis=0)
    cand_cls = jnp.take(cls_idx, top_pos)
    # class-aware NMS via per-class coordinate offset (boxes of different classes never overlap)
    span = jnp.max(boxes) - jnp.min(boxes) + 1.0
    off_boxes = cand_boxes + (cand_cls.astype(boxes.dtype) * span)[:, None]
    valid0 = top_scores > 0.0

    def step(valid, _):
        ms = jnp.where(valid, top_scores, -jnp.inf)
        i = jnp.argmax(ms)
        keep = jnp.take(valid, i)
        s = jnp.take(top_scores, i)
        b = jnp.take(cand_boxes, i, axis=0)
        ob = jnp.take(off_boxes, i, axis=0)
        c = jnp.take(cand_cls, i)
        ious = _iou_one_vs_all(ob, off_boxes)
        valid = valid & (ious <= IOU_THRESHOLD)
        out_b = jnp.where(keep, b, jnp.zeros_like(b))
        out_s = jnp.where(keep, s, 0.0)
        out_c = jnp.where(keep, c, -1)
        return valid, (out_b, out_s, out_c, keep)

    _, (ob, osc, oc, ok) = jax.lax.scan(step, valid0, None, length=MAX_DETECTIONS)
    n_valid = jnp.sum(ok.astype(jnp.int32))
    return ob, osc, oc, n_valid


def reference(boxes, scores):
    out_boxes, out_scores, out_labels, n_valid = jax.vmap(_nms_single)(boxes, scores)
    return out_boxes, out_scores, out_labels, n_valid[:, None]

if __name__ == "__main__":
    import jax
    _d = setup_inputs()
    print(jax.jit(kernel)(*tuple(_d.values())))

</pallas_src>

<mosaic_0001>
module attributes {stable_mosaic.version = 14 : i64} {
  func.func @_nms_loop_kernel(%arg0: memref<32x128xf32, #tpu.memory_space<vmem>>, %arg1: memref<32x128xf32, #tpu.memory_space<vmem>>, %arg2: memref<32x128xf32, #tpu.memory_space<vmem>>, %arg3: memref<32x128xf32, #tpu.memory_space<vmem>>, %arg4: memref<32x128xf32, #tpu.memory_space<vmem>>, %arg5: memref<32x128xi32, #tpu.memory_space<vmem>>, %arg6: memref<625x128xf32, #tpu.memory_space<vmem>>, %arg7: memref<300x4xf32, #tpu.memory_space<smem>>, %arg8: memref<300xf32, #tpu.memory_space<smem>>, %arg9: memref<300xi32, #tpu.memory_space<smem>>, %arg10: memref<1xi32, #tpu.memory_space<smem>>) attributes {dimension_semantics = [], scalar_prefetch = 0 : i64, scratch_operands = 0 : i64, tpu.core_type = #tpu.core_type<tc>} {
    %get3A = arith.constant 0 : index
    %get3A_0 = arith.constant 0 : index
    %get3A_1 = vector.load %arg0[%get3A, %get3A_0] : memref<32x128xf32, #tpu.memory_space<vmem>>, vector<32x128xf32>
    %get3A_2 = arith.constant 0 : index
    %get3A_3 = arith.constant 0 : index
    %get3A_4 = vector.load %arg1[%get3A_2, %get3A_3] : memref<32x128xf32, #tpu.memory_space<vmem>>, vector<32x128xf32>
    %get3A_5 = arith.constant 0 : index
    %get3A_6 = arith.constant 0 : index
    %get3A_7 = vector.load %arg2[%get3A_5, %get3A_6] : memref<32x128xf32, #tpu.memory_space<vmem>>, vector<32x128xf32>
    %get3A_8 = arith.constant 0 : index
    %get3A_9 = arith.constant 0 : index
    %get3A_10 = vector.load %arg3[%get3A_8, %get3A_9] : memref<32x128xf32, #tpu.memory_space<vmem>>, vector<32x128xf32>
    %get3A_11 = arith.constant 0 : index
    %get3A_12 = arith.constant 0 : index
    %get3A_13 = vector.load %arg4[%get3A_11, %get3A_12] : memref<32x128xf32, #tpu.memory_space<vmem>>, vector<32x128xf32>
    %get3A_14 = arith.constant 0 : index
    %get3A_15 = arith.constant 0 : index
    %get3A_16 = vector.load %arg5[%get3A_14, %get3A_15] : memref<32x128xi32, #tpu.memory_space<vmem>>, vector<32x128xi32>
    %convert_element_type3A = arith.sitofp %get3A_16 : vector<32x128xi32> to vector<32x128xf32>
    %get3A_17 = arith.constant 0 : index
    %get3A_18 = arith.constant 0 : index
    %get3A_19 = vector.load %arg6[%get3A_17, %get3A_18] : memref<625x128xf32, #tpu.memory_space<vmem>>, vector<625x128xf32>
    %reduce_max3A = vector.shape_cast %get3A_19 : vector<625x128xf32> to vector<1x625x128xf32>
    %reduce_max3A_20 = arith.constant dense<0xFF800000> : vector<1xf32>
    %reduce_max3A_21 = vector.multi_reduction <maximumf>, %reduce_max3A, %reduce_max3A_20 [1, 2] : vector<1x625x128xf32> to vector<1xf32>
    %reduce_max3A_22 = vector.shape_cast %reduce_max3A_21 : vector<1xf32> to vector<1x1x1xf32>
    %reduce_max3A_23 = vector.extract %reduce_max3A_22[0, 0, 0] : f32 from vector<1x1x1xf32>
    %reduce_min3A = vector.shape_cast %get3A_19 : vector<625x128xf32> to vector<1x625x128xf32>
    %reduce_min3A_24 = arith.constant dense<0x7F800000> : vector<1xf32>
    %reduce_min3A_25 = vector.multi_reduction <minimumf>, %reduce_min3A, %reduce_min3A_24 [1, 2] : vector<1x625x128xf32> to vector<1xf32>
    %reduce_min3A_26 = vector.shape_cast %reduce_min3A_25 : vector<1xf32> to vector<1x1x1xf32>
    %reduce_min3A_27 = vector.extract %reduce_min3A_26[0, 0, 0] : f32 from vector<1x1x1xf32>
    %sub3A = arith.subf %reduce_max3A_23, %reduce_min3A_27 : f32
    %add3A = arith.constant 1.000000e+00 : f32
    %add3A_28 = arith.addf %sub3A, %add3A : f32
    %mul3A = vector.broadcast %add3A_28 : f32 to vector<32x128xf32>
    %mul3A_29 = arith.mulf %convert_element_type3A, %mul3A : vector<32x128xf32>
    %add3A_30 = arith.addf %get3A_1, %mul3A_29 : vector<32x128xf32>
    %add3A_31 = arith.addf %get3A_4, %mul3A_29 : vector<32x128xf32>
    %add3A_32 = arith.addf %get3A_7, %mul3A_29 : vector<32x128xf32>
    %add3A_33 = arith.addf %get3A_10, %mul3A_29 : vector<32x128xf32>
    %sub3A_34 = arith.subf %add3A_32, %add3A_30 : vector<32x128xf32>
    %sub3A_35 = arith.subf %add3A_33, %add3A_31 : vector<32x128xf32>
    %mul3A_36 = arith.mulf %sub3A_34, %sub3A_35 : vector<32x128xf32>
    %iota3A = tpu.iota {dimensions = array<i32: 0>} : vector<32x128xi32>
    %mul3A_37 = arith.constant 128 : i32
    %mul3A_38 = vector.broadcast %mul3A_37 : i32 to vector<32x128xi32>
    %mul3A_39 = arith.muli %iota3A, %mul3A_38 : vector<32x128xi32>
    %iota3A_40 = tpu.iota {dimensions = array<i32: 1>} : vector<32x128xi32>
    %add3A_41 = arith.addi %mul3A_39, %iota3A_40 : vector<32x128xi32>
    %gt3A = arith.constant 0.000000e+00 : f32
    %gt3A_42 = vector.broadcast %gt3A : f32 to vector<32x128xf32>
    %gt3A_43 = arith.cmpf ogt, %get3A_13, %gt3A_42 : vector<32x128xf32>
    %convert_element_type3A_44 = arith.extui %gt3A_43 : vector<32x128xi1> to vector<32x128xi32>
    %convert_element_type3A_45 = arith.sitofp %convert_element_type3A_44 : vector<32x128xi32> to vector<32x128xf32>
    %scan3A = arith.constant 4096 : i32
    %scan3A_46 = arith.constant 0 : i32
    %scan3A_47 = arith.constant 0 : i32
    %scan3A_48 = arith.constant 300 : i32
    %scan3A_49 = arith.addi %scan3A_47, %scan3A_48 : i32
    %scan3A_50 = arith.constant 1 : i32
    %scan3A_51:2 = scf.for %scan3A_54 = %scan3A_47 to %scan3A_49 step %scan3A_50 iter_args(%scan3A_55 = %convert_element_type3A_45, %scan3A_56 = %scan3A_46) -> (vector<32x128xf32>, i32)  : i32 {
      %gt3A_57 = arith.constant 0.000000e+00 : f32
      %gt3A_58 = vector.broadcast %gt3A_57 : f32 to vector<32x128xf32>
      %gt3A_59 = arith.cmpf ogt, %scan3A_55, %gt3A_58 : vector<32x128xf32>
      %broadcast_in_dim3A = vector.broadcast %scan3A : i32 to vector<32x128xi32>
      %select_n3A = arith.select %gt3A_59, %add3A_41, %broadcast_in_dim3A : vector<32x128xi1>, vector<32x128xi32>
      %reduce_min3A_60 = vector.shape_cast %select_n3A : vector<32x128xi32> to vector<1x32x128xi32>
      %reduce_min3A_61 = arith.constant dense<2147483647> : vector<1xi32>
      %reduce_min3A_62 = vector.multi_reduction <minsi>, %reduce_min3A_60, %reduce_min3A_61 [1, 2] : vector<1x32x128xi32> to vector<1xi32>
      %reduce_min3A_63 = vector.shape_cast %reduce_min3A_62 : vector<1xi32> to vector<1x1x1xi32>
      %reduce_min3A_64 = vector.extract %reduce_min3A_63[0, 0, 0] : i32 from vector<1x1x1xi32>
      %lt3A = arith.cmpi slt, %reduce_min3A_64, %scan3A : i32
      %convert_element_type3A_65 = arith.extui %lt3A : i1 to i32
      %convert_element_type3A_66 = arith.sitofp %convert_element_type3A_65 : i32 to f32
      %eq3A = vector.broadcast %reduce_min3A_64 : i32 to vector<32x128xi32>
      %eq3A_67 = arith.cmpi eq, %add3A_41, %eq3A : vector<32x128xi32>
      %convert_element_type3A_68 = arith.extui %eq3A_67 : vector<32x128xi1> to vector<32x128xi32>
      %convert_element_type3A_69 = arith.sitofp %convert_element_type3A_68 : vector<32x128xi32> to vector<32x128xf32>
      %mul3A_70 = arith.mulf %convert_element_type3A_69, %get3A_13 : vector<32x128xf32>
      %reduce_sum3A = vector.shape_cast %mul3A_70 : vector<32x128xf32> to vector<1x32x128xf32>
      %reduce_sum3A_71 = arith.constant dense<0.000000e+00> : vector<1xf32>
      %reduce_sum3A_72 = vector.multi_reduction <add>, %reduce_sum3A, %reduce_sum3A_71 [1, 2] : vector<1x32x128xf32> to vector<1xf32>
      %reduce_sum3A_73 = vector.shape_cast %reduce_sum3A_72 : vector<1xf32> to vector<1x1x1xf32>
      %reduce_sum3A_74 = vector.extract %reduce_sum3A_73[0, 0, 0] : f32 from vector<1x1x1xf32>
      %mul3A_75 = arith.mulf %convert_element_type3A_69, %convert_element_type3A : vector<32x128xf32>
      %reduce_sum3A_76 = vector.shape_cast %mul3A_75 : vector<32x128xf32> to vector<1x32x128xf32>
      %reduce_sum3A_77 = arith.constant dense<0.000000e+00> : vector<1xf32>
      %reduce_sum3A_78 = vector.multi_reduction <add>, %reduce_sum3A_76, %reduce_sum3A_77 [1, 2] : vector<1x32x128xf32> to vector<1xf32>
      %reduce_sum3A_79 = vector.shape_cast %reduce_sum3A_78 : vector<1xf32> to vector<1x1x1xf32>
      %reduce_sum3A_80 = vector.extract %reduce_sum3A_79[0, 0, 0] : f32 from vector<1x1x1xf32>
      %mul3A_81 = arith.mulf %convert_element_type3A_69, %add3A_30 : vector<32x128xf32>
      %reduce_sum3A_82 = vector.shape_cast %mul3A_81 : vector<32x128xf32> to vector<1x32x128xf32>
      %reduce_sum3A_83 = arith.constant dense<0.000000e+00> : vector<1xf32>
      %reduce_sum3A_84 = vector.multi_reduction <add>, %reduce_sum3A_82, %reduce_sum3A_83 [1, 2] : vector<1x32x128xf32> to vector<1xf32>
      %reduce_sum3A_85 = vector.shape_cast %reduce_sum3A_84 : vector<1xf32> to vector<1x1x1xf32>
      %reduce_sum3A_86 = vector.extract %reduce_sum3A_85[0, 0, 0] : f32 from vector<1x1x1xf32>
      %mul3A_87 = arith.mulf %convert_element_type3A_69, %add3A_31 : vector<32x128xf32>
      %reduce_sum3A_88 = vector.shape_cast %mul3A_87 : vector<32x128xf32> to vector<1x32x128xf32>
      %reduce_sum3A_89 = arith.constant dense<0.000000e+00> : vector<1xf32>
      %reduce_sum3A_90 = vector.multi_reduction <add>, %reduce_sum3A_88, %reduce_sum3A_89 [1, 2] : vector<1x32x128xf32> to vector<1xf32>
      %reduce_sum3A_91 = vector.shape_cast %reduce_sum3A_90 : vector<1xf32> to vector<1x1x1xf32>
      %reduce_sum3A_92 = vector.extract %reduce_sum3A_91[0, 0, 0] : f32 from vector<1x1x1xf32>
      %mul3A_93 = arith.mulf %convert_element_type3A_69, %add3A_32 : vector<32x128xf32>
      %reduce_sum3A_94 = vector.shape_cast %mul3A_93 : vector<32x128xf32> to vector<1x32x128xf32>
      %reduce_sum3A_95 = arith.constant dense<0.000000e+00> : vector<1xf32>
      %reduce_sum3A_96 = vector.multi_reduction <add>, %reduce_sum3A_94, %reduce_sum3A_95 [1, 2] : vector<1x32x128xf32> to vector<1xf32>
      %reduce_sum3A_97 = vector.shape_cast %reduce_sum3A_96 : vector<1xf32> to vector<1x1x1xf32>
      %reduce_sum3A_98 = vector.extract %reduce_sum3A_97[0, 0, 0] : f32 from vector<1x1x1xf32>
      %mul3A_99 = arith.mulf %convert_element_type3A_69, %add3A_33 : vector<32x128xf32>
      %reduce_sum3A_100 = vector.shape_cast %mul3A_99 : vector<32x128xf32> to vector<1x32x128xf32>
      %reduce_sum3A_101 = arith.constant dense<0.000000e+00> : vector<1xf32>
      %reduce_sum3A_102 = vector.multi_reduction <add>, %reduce_sum3A_100, %reduce_sum3A_101 [1, 2] : vector<1x32x128xf32> to vector<1xf32>
      %reduce_sum3A_103 = vector.shape_cast %reduce_sum3A_102 : vector<1xf32> to vector<1x1x1xf32>
      %reduce_sum3A_104 = vector.extract %reduce_sum3A_103[0, 0, 0] : f32 from vector<1x1x1xf32>
      %mul3A_105 = arith.mulf %convert_element_type3A_69, %get3A_1 : vector<32x128xf32>
      %reduce_sum3A_106 = vector.shape_cast %mul3A_105 : vector<32x128xf32> to vector<1x32x128xf32>
      %reduce_sum3A_107 = arith.constant dense<0.000000e+00> : vector<1xf32>
      %reduce_sum3A_108 = vector.multi_reduction <add>, %reduce_sum3A_106, %reduce_sum3A_107 [1, 2] : vector<1x32x128xf32> to vector<1xf32>
      %reduce_sum3A_109 = vector.shape_cast %reduce_sum3A_108 : vector<1xf32> to vector<1x1x1xf32>
      %reduce_sum3A_110 = vector.extract %reduce_sum3A_109[0, 0, 0] : f32 from vector<1x1x1xf32>
      %mul3A_111 = arith.mulf %convert_element_type3A_69, %get3A_4 : vector<32x128xf32>
      %reduce_sum3A_112 = vector.shape_cast %mul3A_111 : vector<32x128xf32> to vector<1x32x128xf32>
      %reduce_sum3A_113 = arith.constant dense<0.000000e+00> : vector<1xf32>
      %reduce_sum3A_114 = vector.multi_reduction <add>, %reduce_sum3A_112, %reduce_sum3A_113 [1, 2] : vector<1x32x128xf32> to vector<1xf32>
      %reduce_sum3A_115 = vector.shape_cast %reduce_sum3A_114 : vector<1xf32> to vector<1x1x1xf32>
      %reduce_sum3A_116 = vector.extract %reduce_sum3A_115[0, 0, 0] : f32 from vector<1x1x1xf32>
      %mul3A_117 = arith.mulf %convert_element_type3A_69, %get3A_7 : vector<32x128xf32>
      %reduce_sum3A_118 = vector.shape_cast %mul3A_117 : vector<32x128xf32> to vector<1x32x128xf32>
      %reduce_sum3A_119 = arith.constant dense<0.000000e+00> : vector<1xf32>
      %reduce_sum3A_120 = vector.multi_reduction <add>, %reduce_sum3A_118, %reduce_sum3A_119 [1, 2] : vector<1x32x128xf32> to vector<1xf32>
      %reduce_sum3A_121 = vector.shape_cast %reduce_sum3A_120 : vector<1xf32> to vector<1x1x1xf32>
      %reduce_sum3A_122 = vector.extract %reduce_sum3A_121[0, 0, 0] : f32 from vector<1x1x1xf32>
      %mul3A_123 = arith.mulf %convert_element_type3A_69, %get3A_10 : vector<32x128xf32>
      %reduce_sum3A_124 = vector.shape_cast %mul3A_123 : vector<32x128xf32> to vector<1x32x128xf32>
      %reduce_sum3A_125 = arith.constant dense<0.000000e+00> : vector<1xf32>
      %reduce_sum3A_126 = vector.multi_reduction <add>, %reduce_sum3A_124, %reduce_sum3A_125 [1, 2] : vector<1x32x128xf32> to vector<1xf32>
      %reduce_sum3A_127 = vector.shape_cast %reduce_sum3A_126 : vector<1xf32> to vector<1x1x1xf32>
      %reduce_sum3A_128 = vector.extract %reduce_sum3A_127[0, 0, 0] : f32 from vector<1x1x1xf32>
      %max3A = vector.broadcast %reduce_sum3A_86 : f32 to vector<32x128xf32>
      %max3A_129 = arith.maximumf %max3A, %add3A_30 : vector<32x128xf32>
      %max3A_130 = vector.broadcast %reduce_sum3A_92 : f32 to vector<32x128xf32>
      %max3A_131 = arith.maximumf %max3A_130, %add3A_31 : vector<32x128xf32>
      %min3A = vector.broadcast %reduce_sum3A_98 : f32 to vector<32x128xf32>
      %min3A_132 = arith.minimumf %min3A, %add3A_32 : vector<32x128xf32>
      %min3A_133 = vector.broadcast %reduce_sum3A_104 : f32 to vector<32x128xf32>
      %min3A_134 = arith.minimumf %min3A_133, %add3A_33 : vector<32x128xf32>
      %sub3A_135 = arith.subf %min3A_132, %max3A_129 : vector<32x128xf32>
      %jit3A = arith.constant 0.000000e+00 : f32
      %max3A_136 = vector.broadcast %jit3A : f32 to vector<32x128xf32>
      %max3A_137 = arith.maximumf %max3A_136, %sub3A_135 : vector<32x128xf32>
      %sub3A_138 = arith.subf %min3A_134, %max3A_131 : vector<32x128xf32>
      %jit3A_139 = arith.constant 0.000000e+00 : f32
      %max3A_140 = vector.broadcast %jit3A_139 : f32 to vector<32x128xf32>
      %max3A_141 = arith.maximumf %max3A_140, %sub3A_138 : vector<32x128xf32>
      %mul3A_142 = arith.mulf %max3A_137, %max3A_141 : vector<32x128xf32>
      %sub3A_143 = arith.subf %reduce_sum3A_98, %reduce_sum3A_86 : f32
      %sub3A_144 = arith.subf %reduce_sum3A_104, %reduce_sum3A_92 : f32
      %mul3A_145 = arith.mulf %sub3A_143, %sub3A_144 : f32
      %add3A_146 = vector.broadcast %mul3A_145 : f32 to vector<32x128xf32>
      %add3A_147 = arith.addf %add3A_146, %mul3A_36 : vector<32x128xf32>
      %sub3A_148 = arith.subf %add3A_147, %mul3A_142 : vector<32x128xf32>
      %add3A_149 = arith.constant 9.99999971E-10 : f32
      %add3A_150 = vector.broadcast %add3A_149 : f32 to vector<32x128xf32>
      %add3A_151 = arith.addf %sub3A_148, %add3A_150 : vector<32x128xf32>
      %div3A = arith.divf %mul3A_142, %add3A_151 : vector<32x128xf32>
      %le3A = arith.constant 6.500000e-01 : f32
      %le3A_152 = vector.broadcast %le3A : f32 to vector<32x128xf32>
      %le3A_153 = arith.cmpf ole, %div3A, %le3A_152 : vector<32x128xf32>
      %jit3A_154 = arith.constant 0.000000e+00 : f32
      %broadcast_in_dim3A_155 = vector.broadcast %jit3A_154 : f32 to vector<32x128xf32>
      %select_n3A_156 = arith.select %le3A_153, %scan3A_55, %broadcast_in_dim3A_155 : vector<32x128xi1>, vector<32x128xf32>
      %mul3A_157 = arith.mulf %reduce_sum3A_110, %convert_element_type3A_66 : f32
      %swap3A_158 = arith.index_cast %scan3A_54 : i32 to index
      %swap3A_159 = arith.constant 0 : index
      %swap3A_160 = memref.load %arg7[%swap3A_158, %swap3A_159] : memref<300x4xf32, #tpu.memory_space<smem>>
      memref.store %mul3A_157, %arg7[%swap3A_158, %swap3A_159] : memref<300x4xf32, #tpu.memory_space<smem>>
      %mul3A_161 = arith.mulf %reduce_sum3A_116, %convert_element_type3A_66 : f32
      %swap3A_162 = arith.index_cast %scan3A_54 : i32 to index
      %swap3A_163 = arith.constant 1 : index
      %swap3A_164 = memref.load %arg7[%swap3A_162, %swap3A_163] : memref<300x4xf32, #tpu.memory_space<smem>>
      memref.store %mul3A_161, %arg7[%swap3A_162, %swap3A_163] : memref<300x4xf32, #tpu.memory_space<smem>>
      %mul3A_165 = arith.mulf %reduce_sum3A_122, %convert_element_type3A_66 : f32
      %swap3A_166 = arith.index_cast %scan3A_54 : i32 to index
      %swap3A_167 = arith.constant 2 : index
      %swap3A_168 = memref.load %arg7[%swap3A_166, %swap3A_167] : memref<300x4xf32, #tpu.memory_space<smem>>
      memref.store %mul3A_165, %arg7[%swap3A_166, %swap3A_167] : memref<300x4xf32, #tpu.memory_space<smem>>
      %mul3A_169 = arith.mulf %reduce_sum3A_128, %convert_element_type3A_66 : f32
      %swap3A_170 = arith.index_cast %scan3A_54 : i32 to index
      %swap3A_171 = arith.constant 3 : index
      %swap3A_172 = memref.load %arg7[%swap3A_170, %swap3A_171] : memref<300x4xf32, #tpu.memory_space<smem>>
      memref.store %mul3A_169, %arg7[%swap3A_170, %swap3A_171] : memref<300x4xf32, #tpu.memory_space<smem>>
      %mul3A_173 = arith.mulf %reduce_sum3A_74, %convert_element_type3A_66 : f32
      %swap3A_174 = arith.index_cast %scan3A_54 : i32 to index
      %swap3A_175 = memref.load %arg8[%swap3A_174] : memref<300xf32, #tpu.memory_space<smem>>
      memref.store %mul3A_173, %arg8[%swap3A_174] : memref<300xf32, #tpu.memory_space<smem>>
      %convert_element_type3A_176 = arith.fptosi %reduce_sum3A_80 : f32 to i32
      %jit3A_177 = arith.constant -1 : i32
      %select_n3A_178 = arith.select %lt3A, %convert_element_type3A_176, %jit3A_177 : i32
      %swap3A_179 = arith.index_cast %scan3A_54 : i32 to index
      %swap3A_180 = memref.load %arg9[%swap3A_179] : memref<300xi32, #tpu.memory_space<smem>>
      memref.store %select_n3A_178, %arg9[%swap3A_179] : memref<300xi32, #tpu.memory_space<smem>>
      %convert_element_type3A_181 = arith.extui %lt3A : i1 to i32
      %add3A_182 = arith.addi %scan3A_56, %convert_element_type3A_181 : i32
      scf.yield %select_n3A_156, %add3A_182 : vector<32x128xf32>, i32
    }
    %scan3A_52 = arith.constant 300 : i32
    %swap3A = arith.constant 0 : index
    %swap3A_53 = memref.load %arg10[%swap3A] : memref<1xi32, #tpu.memory_space<smem>>
    memref.store %scan3A_51#1, %arg10[%swap3A] : memref<1xi32, #tpu.memory_space<smem>>
    return
  }
}

</mosaic_0001>

<sc_bundles>
// kernel: gather_offload_async_start
scs
__scs_entry_jumppad:
0x0: {  	(pc) =	sbr.rel $0x88, $3  }
0x1: {  	(tag) =	ssettag $0x0;
	lr =	simm.s32 $0x1  }
0x2: {  	[smem:$0x3F9F] =	sst lr;
	_ =	strace $0xD0000000  }
0x3: {  	_ = 	snop  }
0x4: {  	_ = 	snop  }
0x5: {  	_ = 	snop  }
0x6: {  	_ = 	snop  }
0x7: {  	_ = 	snop  }
__scs_overlays_trampoline_lowered:
0x8: {  	[smem:$0x3FAE] =	sst s0  }
0x9: {  	[smem:$0x3FAF] =	sst s1  }
0xa: {  	[smem:$0x3FB0] =	sst s2  }
0xb: {  	[smem:$0x3FB1] =	sst s3  }
0xc: {  	[smem:$0x3FB2] =	sst s4  }
0xd: {  	[smem:$0x3FB3] =	sst s5  }
0xe: {  	[smem:$0x3FB4] =	sst s6  }
0xf: {  	[smem:$0x3FB5] =	sst s7  }
0x10: {  	[smem:$0x3FB6] =	sst s8  }
0x11: {  	[smem:$0x3FB7] =	sst s9;
	s0 =	simm.s32 @!p0 $0x0  }
0x12: {  	s1 =	sld [smem:$0x3F9D];
	s0 =	simm.s32 @p0 $0x1  }
0x13: {  	[smem:$0x3FB8] =	sst s0;
	s0 =	simm.s32 @!p1 $0x0  }
0x14: {  	s2 =	sld [smem:$0x3F9C];
	s0 =	simm.s32 @p1 $0x1  }
0x15: {  	[smem:$0x3FB9] =	sst s0;
	s0 =	simm.s32 @!p2 $0x0  }
0x16: {  	s3 =	sld [smem:$0x3FDB];
	s0 =	simm.s32 @p2 $0x1  }
0x17: {  	s4 =	simm.s32 $0x1BF5;
	[smem:$0x3FBB] =	sst s0  }
0x18: {  	s0 =	sld [smem:$0x3F9E];
	_ =	swait.ge [sflag:s4], $0x0  }
0x19: {  	s7 =	sld [smem:$0x3F9F]  }
0x1a: {  	s8 =	sadd.s32 $0xFFFFE003, lr  }
0x1b: {  	s9 =	sadd.s32 $0xFFFFFEF7, lr;
	s5 =	simm.s32 $0xFFFFFFFF;
	p2 =	slt.u32 s8, $0xFFFFF086  }
0x1c: {  	p1 =	slt.u32 s9, $0xF7A;
	s5 =	simm.s32 @!p2 $0x0  }
0x1d: {  	s5 =	simm.s32 @p1 $0x1;
	p0 =	seq.s32 s7, s2  }
0x1e: {  	s7 =	smul.u32 @!p0 $0xF7A, s2;
	p2 =	seq.s32 @!p0 s5, $0x0  }
0x1f: {  	s9 =	smul.u32 $0xF7A, s1;
	s8 =	simm.s32 @!p0 $0x1BF5;
	p2 =	por !p2, p0  }
0x20: {  	[sflag:s8] =	ssyncset.s32 @!p0 $0xFFFFF086;
	s6 =	sadd.s32 @!p0 s3, s7;
	s7 =	simm.s32 @!p0 $0x108  }
0x21: {  	s3 =	sadd.s32 s3, s9;
	s6 =	sadd.s32 @!p0 $0x88, s6;
	s7 =	simm.s32 @p2 $0x1082  }
0x22: {  	[simem:s7], [sflag:s8] =	dma.local @!p0 [hbm:s6], $0xF7A  }
0x23: {  	s9 =	sor.u32 $0xD0000000, s2;
	s6 =	simm.s32 $0x108;
	_ =	swait.ge @!p0 [sflag:s8], $0x0  }
0x24: {  	s3 =	sadd.s32 $0x88, s3;
	s6 =	simm.s32 @!p1 $0x1082;
	[sflag:s4] =	ssyncset.s32 $0xFFFFF086  }
0x25: {  	[simem:s6], [sflag:s4] =	dma.local [hbm:s3], $0xF7A  }
0x26: {  	[smem:$0x3F9F] =	sst s1;
	(tag) =	ssettag s2;
	_ =	strace s9  }
0x27: {  	s1 =	sld [smem:$0x3FAF]  }
0x28: {  	s2 =	sld [smem:$0x3FB0]  }
0x29: {  	s4 =	sld [smem:$0x3FB2]  }
0x2a: {  	p0 =	seq.s32 s5, $0x0;
	s5 =	sld [smem:$0x3FB3]  }
0x2b: {  	s6 =	sld [smem:$0x3FB4]  }
0x2c: {  	s7 =	sld [smem:$0x3FB5]  }
0x2d: {  	s3 =	simm.s32 $0x108;
	s8 =	sld [smem:$0x3FB6]  }
0x2e: {  	s3 =	simm.s32 @!p0 $0x1082;
	s9 =	sld [smem:$0x3FB7]  }
0x2f: {  	lr =	sadd.s32 s0, s3;
	s0 =	sld [smem:$0x3FAE]  }
0x30: {  	s3 =	sld [smem:$0x3FB1]  }
0x31: {  	[smem:$0x3FBA] =	sst s10  }
0x32: {  	s10 =	sld [smem:$0x3FB8];
	_ =	sdelay $0x3  }
0x33: {  	p0 =	seq.s32 s10, $0x1;
	s10 =	sld [smem:$0x3FBA];
	_ =	sdelay $0x3  }
0x34: {  	[smem:$0x3FBA] =	sst s10  }
0x35: {  	s10 =	sld [smem:$0x3FB9];
	_ =	sdelay $0x3  }
0x36: {  	p1 =	seq.s32 s10, $0x1;
	s10 =	sld [smem:$0x3FBA];
	_ =	sdelay $0x3  }
0x37: {  	[smem:$0x3FBA] =	sst s10  }
0x38: {  	s10 =	sld [smem:$0x3FBB]  }
0x39: {  	_ = 	snop;
	(pc) =	sbr.ind lr, $3  }
0x3a: {  	_ = 	snop  }
0x3b: {  	_ = 	snop  }
0x3c: {  	p2 =	seq.s32 s10, $0x1;
	s10 =	sld [smem:$0x3FBA]  }
0x3d: {  	_ =	shalt  }
0x3e: {  	_ =	shalt  }
0x3f: {  	_ =	shalt  }
0x40: {  	_ =	shalt  }
0x41: {  	_ =	shalt  }
0x42: {  	_ =	shalt  }
0x43: {  	_ =	shalt  }
0x44: {  	_ =	shalt  }
0x45: {  	_ =	shalt  }
0x46: {  	_ =	shalt  }
0x47: {  	_ =	shalt  }
0x48: {  	_ =	shalt  }
0x49: {  	_ =	shalt  }
0x4a: {  	_ =	shalt  }
0x4b: {  	_ =	shalt  }
0x4c: {  	_ =	shalt  }
0x4d: {  	_ =	shalt  }
0x4e: {  	_ =	shalt  }
0x4f: {  	_ =	shalt  }
0x50: {  	_ =	shalt  }
0x51: {  	_ =	shalt  }
0x52: {  	_ =	shalt  }
0x53: {  	_ =	shalt  }
0x54: {  	_ =	shalt  }
0x55: {  	_ =	shalt  }
0x56: {  	_ =	shalt  }
0x57: {  	_ =	shalt  }
0x58: {  	_ =	shalt  }
0x59: {  	_ =	shalt  }
0x5a: {  	_ =	shalt  }
0x5b: {  	_ =	shalt  }
0x5c: {  	_ =	shalt  }
0x5d: {  	_ =	shalt  }
0x5e: {  	_ =	shalt  }
0x5f: {  	_ =	shalt  }
0x60: {  	_ =	shalt  }
0x61: {  	_ =	shalt  }
0x62: {  	_ =	shalt  }
0x63: {  	_ =	shalt  }
0x64: {  	_ =	shalt  }
0x65: {  	_ =	shalt  }
0x66: {  	_ =	shalt  }
0x67: {  	_ =	shalt  }
0x68: {  	_ =	shalt  }
0x69: {  	_ =	shalt  }
0x6a: {  	_ =	shalt  }
0x6b: {  	_ =	shalt  }
0x6c: {  	_ =	shalt  }
0x6d: {  	_ =	shalt  }
0x6e: {  	_ =	shalt  }
0x6f: {  	_ =	shalt  }
0x70: {  	_ =	shalt  }
0x71: {  	_ =	shalt  }
0x72: {  	_ =	shalt  }
0x73: {  	_ =	shalt  }
0x74: {  	_ =	shalt  }
0x75: {  	_ =	shalt  }
0x76: {  	_ =	shalt  }
0x77: {  	_ =	shalt  }
0x78: {  	_ =	shalt  }
0x79: {  	_ =	shalt  }
0x7a: {  	_ =	shalt  }
0x7b: {  	_ =	shalt  }
0x7c: {  	_ =	shalt  }
0x7d: {  	_ =	shalt  }
0x7e: {  	_ =	shalt  }
0x7f: {  	_ =	shalt  }
0x80: {  	_ =	shalt  }
0x81: {  	_ =	shalt  }
0x82: {  	_ =	shalt  }
0x83: {  	_ =	shalt  }
0x84: {  	_ =	shalt  }
0x85: {  	_ =	shalt  }
0x86: {  	_ =	shalt  }
0x87: {  	_ =	shalt  }
.Lfunc_end0:
.L_simem_size_0:
called_computation_lowered:
.L_overlay_start_0:
0x88: {  	s2 =	sld [smem:$0x3FD9]  }
0x89: {  	s3 =	sld [smem:$0x3FFE];
	_ =	sdelay $0x1  }
0x8a: {  	s1 =	srdreg.scid  }
0x8b: {  	s0 =	sand.u32 $0x1, s1  }
0x8c: {  	s16 =	sshll.u32 s0, $0xA;
	s2 =	sadd.s32 s3, s2  }
0x8d: {  	s2 =	sadd.s32 s2, s16  }
0x8e: {  	[smem:$0x3FC6] =	sst s2  }
0x8f: {  	_ = 	snop  }
0x90: {  	(tm) =	ssettm $0x1  }
0x91: {  	s17 =	sld [smem:$0x3FFB];
	_ =	sdelay $0x3  }
0x92: {  	_ =	strace s17  }
0x93: {  	s2 =	sld [smem:$0x3FFC];
	_ =	sdelay $0x3  }
0x94: {  	_ =	strace s2  }
0x95: {  	s2 =	sld [smem:$0x3FFD];
	_ =	sdelay $0x3  }
0x96: {  	_ =	strace s2  }
0x97: {  	_ =	strace $0x8FFFFFFF  }
0x98: {  	s18 =	sld [smem:$0x3FDB];
	_ =	sdelay $0x1  }
0x99: {  	s19 =	simm.s32 $_scs_section_size  }
0x9a: {  	s4 =	simm.s32 $_size__tile_overlayer_lowered;
	s5 =	simm.s32 $_tile_overlayer_lowered  }
0x9b: {  	s22 =	simm.s32 $0x1BFF;
	s21 =	sshll.u32 s5, $0x1;
	s2 =	sadd.s32 s19, s18  }
0x9c: {  	s6 =	simm.s32 $0x0;
	s20 =	sshll.u32 s4, $0x1;
	s4 =	sadd.s32 s21, s2  }
0x9d: {  	[timem:s6], [sflag:s22] =	dma.local [hbm:s4], s20  }
0x9e: {  	_ =	swait.ge [sflag:s22], s20  }
0x9f: {  	s3 =	ssub.s32 $0x0, s20;
	[sflag:s22] =	ssyncset.done $0x0  }
0xa0: {  	[sflag:s22] =	ssyncadd.s32 s3;
	_ =	sdelay $0x1  }
0xa1: {  	s23 =	simm.s32 $0x1B8B  }
0xa2: {  	_ =	swait.ge [sflag:s23], $0x1  }
0xa3: {  	[sflag:s23] =	ssyncset.done $0x0  }
0xa4: {  	s25 =	simm.s32 $0x1B8E;
	s24 =	sld [smem:$0x3FFE];
	[sflag:s23] =	ssyncadd.s32 $0xFFFFFFFF  }
0xa5: {  	s26 =	simm.s32 $execute0_lowered;
	[smem:$0x3FD2] =	sst s25  }
0xa6: {  	s4 =	sshll.u32 s26, $0x1;
	_ =	strace $0x80000046;
	[dreg:$0x1] =	wrdreg $0xFFFFFFFF  }
0xa7: {  	s28 =	simm.s32 $_size_execute0_lowered;
	s2 =	sadd.s32 s2, s4;
	[dreg:$0x0] =	wrdreg $0x0  }
0xa8: {  	s4 =	sshll.u32 s28, $0x1;
	[dreg:$0x2] =	wrdreg s2  }
0xa9: {  	[dreg:$0x3] =	wrdreg s4  }
0xaa: {  	[dreg:$0x4] =	wrdreg $0xC0  }
0xab: {  	_ =	task [dreg:s6], $0x5FFFF  }
0xac: {  	[dreg:$0x1] =	wrdreg $0xFFFFFFFF  }
0xad: {  	[dreg:$0x0] =	wrdreg $0x60  }
0xae: {  	[dreg:$0x2] =	wrdreg s24  }
0xaf: {  	[dreg:$0x3] =	wrdreg $0x9  }
0xb0: {  	_ =	task.clear_ibuf [dreg:s6], $0x4FFFF;
	_ =	strace $0x90000046  }
0xb1: {  	s29 =	simm.s32 $0x9;
	_ =	strace $0x80000048  }
0xb2: {  	_ =	swait.ge [sflag:s29], $0x1  }
0xb3: {  	[sflag:s29] =	ssyncadd.s32 $0xFFFFFFFF  }
0xb4: {  	_ =	strace $0x90000048  }
0xb5: {  	_ =	sfence  }
0xb6: {  	s30 =	sld [smem:$0x0];
	_ =	sdelay $0x2  }
0xb7: {  	s31 =	sshll.u32 s1, $0xD;
	s1 =	sshrl.u32 s1, $0x2  }
0xb8: {  	s3 =	sand.u32 $0x4000, s31;
	s1 =	sadd.s32 s1, s30  }
0xb9: {  	s0 =	sor.u32 s3, s0;
	s1 =	sshll.u32 s1, $0x11  }
0xba: {  	s0 =	sor.u32 s1, s0  }
0xbb: {  	s0 =	sadd.s32 $0x8F2B, s0  }
0xbc: {  	[sflag:s0] =	ssyncadd.remote.s32 $0x1  }
0xbd: {  	_ =	sfence.sel $0xFFFF  }
0xbe: {  	[dreg:$0x0] =	wrdreg $0xFFFFFFFF;
	(pc) =	sbr.abs _section_cstart, $3  }
0xbf: {  	[dreg:$0x1] =	wrdreg $0xFFFFFFFF  }
0xc0: {  	_ =	task.clear_ibuf [dreg:s6], $0x2FFFF;
	_ =	strace $0x9FFFFFFF  }
0xc1: {  	(tm) =	ssettm $0x7FFFFFFF  }
tec
execute0_lowered:
.L_overlay_start_1:
0x0: {  	(tag) =	ssettag $0x1  }
0x1: {  	s2 =	rddreg [dreg:$0x0]  }
0x2: {  	s0 =	rddreg [dreg:$0x1]  }
0x3: {  	s1 =	srdreg.scid;
	_ =	strace $0x80000047;
	s4 =	simm.s32 $0x1  }
0x4: {  	s9 =	simm.s32 $0x3;
	s12 =	simm.s32 $0x0;
	s5 =	sshll.u32 s1, $0x4  }
.Ltmp0:
0x5: {  	s1 =	stileid.u32;
	s5 =	sand.u32 $0x10, s5;
	(pc) =	sbr.rel .LBB2_1-.Ltmp0, $4  }
0x6: {  	s10 =	simm.s32 $0x0;
	s3 =	sadd.s32 $0x200, s2;
	s6 =	sor.u32 s1, s5  }
0x7: {  	[sflag:s4] =	ssyncpa.u1 $0x0;
	s5 =	simm.s32 $0x2;
	s6 =	sshll.u32 s6, $0x7  }
0x8: {  	s7 =	sadd.s32 $0x4E400, s2;
	[sflag:s5] =	ssyncpa.u1 $0x0;
	s8 =	sadd.s32 $0x80, s6  }
0x9: {  	vm0 =	vmmov $0xff;
	vm1 =	vcmask $0x3F20;
	[sflag:s9] =	ssyncpa.u1 $0x0;
	s9 =	simm.s32 $0x80;
	s11 =	smov.u32 s6  }
.LBB2_9:
0xa: {  	p0 =	seq.s32 s10, $0x2  }
.Ltmp1:
0xb: {  	_ = 	snop;
	(pc) =	sbr.rel @p0 .LBB2_11-.Ltmp1, $1  }
0xc: {  	_ =	sdelay $0x3  }
.LBB2_10:
0xd: {  	s12 =	sadd.s32 $0x80, s11  }
0xe: {  	s13 =	smov.u32 s6;
	p0 =	slt.s32 s12, s8  }
0xf: {  	s13 =	smov.u32 @p0 s12  }
0x10: {  	s10 =	sadd.s32 $0x1, s10;
	s12 =	smov.u32 s11;
	s11 =	smov.u32 s13  }
.LBB2_1:
0x11: {  	p0 =	sne.s32 s10, $0x0  }
.Ltmp2:
0x12: {  	_ = 	snop;
	(pc) =	sbr.rel @!p0 .LBB2_2-.Ltmp2, $1  }
0x13: {  	_ =	sdelay $0x3  }
0x14: {  	s13 =	sand.u32 $0x1, s10  }
0x15: {  	p0 =	seq.s32 s13, $0x0  }
.Ltmp3:
0x16: {  	_ = 	snop;
	(pc) =	sbr.rel @p0 .LBB2_9-.Ltmp3, $1  }
0x17: {  	_ =	sdelay $0x3  }
0x18: {  	_ =	swait.ge [sflag:s5], $0x80  }
0x19: {  	[sflag:s5] =	ssyncset.done $0x0  }
0x1a: {  	s13 =	simm.s32 $0x0;
	[sflag:s5] =	ssyncadd.s32 $0xFFFFFF80  }
0x1b: {  	v0 =	vld.msk [tilespmem:s13+$0x80 ss:$0x1], $0xffff;
	_ =	sdelay $0x4  }
0x1c: {  	vm2 =	vgt.s32 v0, $0x0  }
0x1d: {  	v0 =	vnsel vm2, $0x0, v0  }
0x1e: {  	v0 =	vmin.u32 v0, $0x4E1F  }
0x1f: {  	v0 =	vshll.u32 v0, $0x4;
	_ =	sdelay $0x3  }
0x20: {  	s13 =	simm.s32 $0x4100  }
0x21: {  	[tilespmem:s13], [sflag:$0x1] =	stream.indirect_vreg.gather [hbm:s3], $0x80, v0, vm0, $0x38;
	[tilespmem:$0x8100] =	vst v63  }
0x22: {  	s14 =	simm.s32 $0x4500;
	s31 =	simm.s32 $0x10  }
0x23: {  	[tilespmem:s14], [sflag:$0x1] =	stream.indirect_vreg.gather [hbm:s3], $0x80, v0, vm1, $0x38;
	[tilespmem:$0x8100] =	vst v63  }
0x24: {  	s14 =	simm.s32 $0x80;
	v0 =	vld.msk [tilespmem:s31+$0x80 ss:$0x1], $0xffff  }
.LBB2_5:
0x25: {  	p0 =	sne.s32 s14, $0x1C0;
	_ =	sdelay $0x4  }
0x26: {  	vm2 =	vgt.s32 v0, $0x0  }
0x27: {  	v0 =	vnsel vm2, $0x0, v0  }
0x28: {  	v0 =	vmin.u32 v0, $0x4E1F  }
0x29: {  	v0 =	vshll.u32 v0, $0x4;
	_ =	sdelay $0x3  }
.Ltmp4:
0x2a: {  	s13 =	sadd.s32 $0x800, s13;
	(pc) =	sbr.rel @p0 .LBB2_5-.Ltmp4, $4  }
0x2b: {  	[tilespmem:s13], [sflag:$0x1] =	stream.indirect_vreg.gather [hbm:s3], $0x80, v0, vm0, $0x38;
	[tilespmem:$0x8100] =	vst v63  }
0x2c: {  	s15 =	sshra.s32 s14, $0x2;
	s16 =	sadd.s32 $0x400, s13  }
0x2d: {  	[tilespmem:s16], [sflag:$0x1] =	stream.indirect_vreg.gather [hbm:s3], $0x80, v0, vm1, $0x38;
	[tilespmem:$0x8100] =	vst v63  }
0x2e: {  	s14 =	sadd.s32 $0x40, s14;
	v0 =	vld.msk [tilespmem:s15+$0x80 ss:$0x1], $0xffff  }
0x2f: {  	_ =	sdelay $0x3  }
0x30: {  	vm2 =	vgt.s32 v0, $0x0  }
0x31: {  	v0 =	vnsel vm2, $0x0, v0  }
0x32: {  	v0 =	vmin.u32 v0, $0x4E1F  }
0x33: {  	v0 =	vshll.u32 v0, $0x4;
	_ =	sdelay $0x3  }
0x34: {  	s13 =	sadd.s32 $0x800, s13  }
0x35: {  	[tilespmem:s13], [sflag:$0x1] =	stream.indirect_vreg.gather [hbm:s3], $0x80, v0, vm0, $0x38;
	[tilespmem:$0x8100] =	vst v63  }
0x36: {  	s13 =	sadd.s32 $0x400, s13  }
0x37: {  	[tilespmem:s13], [sflag:$0x1] =	stream.indirect_vreg.gather [hbm:s3], $0x80, v0, vm1, $0x38;
	[tilespmem:$0x8100] =	vst v63  }
0x38: {  	s12 =	sshll.u32 s12, $0x4;
	s14 =	simm.s32 $0x80;
	_ =	swait.ge [sflag:s4], $0x4000  }
0x39: {  	s15 =	simm.s32 $0x4500;
	s12 =	sadd.s32 s12, s7;
	[sflag:s4] =	ssyncset.done $0x0  }
0x3a: {  	s16 =	sadd.s32 $0x0, s12;
	s13 =	simm.s32 $0x4100;
	[sflag:s4] =	ssyncadd.s32 $0xFFFFC000  }
.LBB2_7:
0x3b: {  	[hbm:s16] =	stream.linear.scatter [tilespmem:s13], [sflag:$0x3], $0x400, $0x38;
	[tilespmem:$0x8100] =	vst v63  }
0x3c: {  	s16 =	smov.u32 s14;
	s13 =	smov.u32 s15;
	p0 =	sne.s32 s14, $0x780  }
.Ltmp5:
0x3d: {  	s14 =	sadd.s32 $0x80, s14;
	(pc) =	sbr.rel @p0 .LBB2_7-.Ltmp5, $2  }
0x3e: {  	_ =	sdelay $0x2  }
0x3f: {  	s15 =	sadd.s32 $0x400, s15;
	s16 =	sadd.s32 s16, s12  }
.Ltmp6:
0x40: {  	(pc) =	sbr.rel .LBB2_9-.Ltmp6, $2  }
0x41: {  	_ =	sdelay $0x2  }
0x42: {  	[hbm:s16] =	stream.linear.scatter [tilespmem:s13], [sflag:$0x3], $0x400, $0x38;
	[tilespmem:$0x8100] =	vst v63  }
.LBB2_2:
.Ltmp7:
0x43: {  	(pc) =	sbr.rel .LBB2_10-.Ltmp7, $4  }
0x44: {  	_ = 	snop  }
0x45: {  	s12 =	sshrl.u32 s11, $0x3  }
0x46: {  	s13 =	sand.u32 $0x7, s11;
	s12 =	sadd.s32 s2, s12  }
0x47: {  	[tilespmem:s9], [sflag:$0x2] =	stream.linear.gather [hbm4b:s12+s13], $0x80, $0x38;
	[tilespmem:$0x8100] =	vst v63  }
.LBB2_11:
0x48: {  	s2 =	simm.s32 $0x3  }
0x49: {  	_ =	swait.ge [sflag:s2], $0x4000  }
0x4a: {  	[sflag:s2] =	ssyncset.done $0x0  }
0x4b: {  	[sflag:s2] =	ssyncadd.s32 $0xFFFFC000  }
0x4c: {  	_ =	sfence.sel $0x180000  }
0x4d: {  	s3 =	simm.s32 $0x2;
	[bflag:$0x0] =	sbarrier.arrive $0xFFFF  }
0x4e: {  	[sflag:s3] =	ssyncpa.u1 $0x1  }
0x4f: {  	s31 =	simm.s32 $0x1;
	[sflag:s2] =	ssyncpa.u1 $0x1  }
0x50: {  	[sflag:s31] =	ssyncpa.u1 $0x1  }
0x51: {  	p0 =	sne.s32 s1, $0x0;
	_ =	strace $0x90000047  }
0x52: {  	s0 =	sadd.s32 @!p0 $0x100000, s0;
	[bflag:$0x2] =	sbarrier.arrive $0xFFFF  }
0x53: {  	[sflag:s0] =	ssyncadd.tile.s32 @!p0 $0x1;
	_ =	shalt  }
.Lfunc_end2:
_tile_overlayer_lowered:
.L_overlay_start_2:
0x54: {  	(tag) =	ssettag $0x2  }
0x55: {  	s0 =	rddreg [dreg:$0x0];
	s2 =	stileid.u32  }
0x56: {  	s1 =	rddreg [dreg:$0x1];
	p0 =	sne.s32 s2, $0x0  }
0x57: {  	s3 =	rddreg [dreg:$0x2];
	[bflag:$0x3] =	sbarrier.arrive $0xFFFF;
	s2 =	simm.s32 @!p0 $0x1C01  }
0x58: {  	[timem:s3], [sflag:s2] =	dma.local @!p0 [hbm:s0], s1  }
0x59: {  	s0 =	simm.s32 @!p0 $0x1  }
0x5a: {  	_ =	swait.ge @!p0 [sflag:s0], s1  }
0x5b: {  	s1 =	ssub.s32 @!p0 $0x0, s1;
	[sflag:s0] =	ssyncset.done @!p0 $0x0  }
0x5c: {  	[sflag:s0] =	ssyncadd.s32 @!p0 s1  }
0x5d: {  	[bflag:$0x3] =	sbarrier.arrive $0xFFFF  }
0x5e: {  	_ =	shalt  }

</sc_bundles>
